<compile_context>
chip_gen: v7x
topology: tpu7x:2x2x1
jax: 0.10.2.dev20260603
libtpu: 0.0.44.dev20260713+nightly
codegen_flags: <defaults>
</compile_context>

<pallas_src>
import functools

import jax
import jax.numpy as jnp
from jax import lax
from jax.experimental import pallas as pl
from jax.experimental.pallas import tpu as pltpu
from jax.experimental.pallas import tpu_sc as plsc

_SIZE = 400
_NCAM = 6
_C = 256
_M = 39200
_NPTS = _NCAM * _M
_NCELL = _SIZE * _SIZE

_NC, _NS = 2, 16
_NW = _NC * _NS
_CHUNK = 128
_NCHUNK = 58
_PER_W = _NCHUNK * _CHUNK
_NPAD = _NW * _PER_W
_ACC_PAD = _NCELL + 8


_CK = 64


def _s1_body(w_ref, td_ref, o_ref):
    k = pl.program_id(1)
    part = lax.dot_general(w_ref[...], td_ref[0],
                           (((0,), (0,)), ((), ())),
                           preferred_element_type=jnp.float32)

    @pl.when(k == 0)
    def _():
        o_ref[0] = part

    @pl.when(k != 0)
    def _():
        o_ref[0] += part


def _stage1(td2, Wt):
    return pl.pallas_call(
        _s1_body,
        grid=(_NCAM, _C // _CK),
        in_specs=[
            pl.BlockSpec((_CK, 1), lambda n, k: (k, 0)),
            pl.BlockSpec((1, _CK, _M), lambda n, k: (n, k, 0)),
        ],
        out_specs=pl.BlockSpec((1, 1, _M), lambda n, k: (n, 0, 0)),
        out_shape=jax.ShapeDtypeStruct((_NCAM, 1, _M), jnp.float32),
    )(Wt, td2)


@functools.cache
def _make_sc_kernel():
    mesh = plsc.VectorSubcoreMesh(core_axis_name="c", subcore_axis_name="s")

    @functools.partial(
        pl.kernel,
        mesh=mesh,
        out_type=[
            jax.ShapeDtypeStruct((_NC, _NCELL), jnp.float32),
            jax.ShapeDtypeStruct((_NC, _NCELL), jnp.float32),
        ],
        scratch_types=[
            pltpu.VMEM((_NCHUNK, _CHUNK), jnp.int32),
            pltpu.VMEM((_NCHUNK, _CHUNK), jnp.int32),
            pltpu.VMEM((_NCHUNK, _CHUNK), jnp.float32),
            pltpu.VMEM((_NCHUNK, _CHUNK), jnp.float32),
            pltpu.VMEM_SHARED((_ACC_PAD,), jnp.float32),
            pltpu.VMEM_SHARED((_ACC_PAD,), jnp.float32),
            pltpu.VMEM_SHARED((_NPTS,), jnp.float32),
            pltpu.SemaphoreType.DMA,
            pltpu.SemaphoreType.DMA,
        ],
    )
    def sc_kernel(s_hbm, src_hbm, dst_hbm, zeros_hbm, ones_hbm,
                  acc_out, cnt_out,
                  idx_s, idx_d, vals, ones_v, acc_sh, cnt_sh, s_sh,
                  sem_g, sem_s):
        cid = lax.axis_index("c")
        sid = lax.axis_index("s")
        wid = sid * _NC + cid

        pltpu.sync_copy(src_hbm.at[wid], idx_s)
        pltpu.sync_copy(dst_hbm.at[wid], idx_d)
        pltpu.sync_copy(ones_hbm, ones_v)

        @pl.when(sid == 0)
        def _():
            pltpu.sync_copy(zeros_hbm, acc_sh)
            pltpu.sync_copy(zeros_hbm, cnt_sh)
            pltpu.sync_copy(s_hbm, s_sh)

        plsc.subcore_barrier()

        def _gather(j, c):
            pltpu.async_copy(s_sh.at[idx_s.at[j]], vals.at[j], sem_g)
            return c

        lax.fori_loop(0, _NCHUNK, _gather, 0)
        pltpu.make_async_copy(ones_hbm, vals, sem_g).wait()

        def _scatter(j, c):
            pltpu.async_copy(vals.at[j], acc_sh.at[idx_d.at[j]], sem_s, add=True)
            pltpu.async_copy(ones_v.at[j], cnt_sh.at[idx_d.at[j]], sem_s, add=True)
            return c

        lax.fori_loop(0, _NCHUNK, _scatter, 0)
        pltpu.make_async_copy(ones_hbm, vals, sem_s).wait()
        pltpu.make_async_copy(ones_hbm, ones_v, sem_s).wait()

        plsc.subcore_barrier()

        @pl.when(sid == 0)
        def _():
            pltpu.sync_copy(acc_sh.at[pl.ds(0, _NCELL)], acc_out.at[cid])
            pltpu.sync_copy(cnt_sh.at[pl.ds(0, _NCELL)], cnt_out.at[cid])

    return sc_kernel


def _s3_body(a_ref, c_ref, b_ref, o_ref):
    a = a_ref[0] + a_ref[1]
    t = c_ref[0] + c_ref[1]
    denom = jnp.where(t >= 1.0, t, 1.0)
    o_ref[...] = a / denom + b_ref[0]


def _stage3(acc, cnt, b):
    return pl.pallas_call(
        _s3_body,
        in_specs=[
            pl.BlockSpec((_NC, _SIZE, _SIZE), lambda: (0, 0, 0)),
            pl.BlockSpec((_NC, _SIZE, _SIZE), lambda: (0, 0, 0)),
            pl.BlockSpec(memory_space=pltpu.SMEM),
        ],
        out_specs=pl.BlockSpec((_SIZE, _SIZE), lambda: (0, 0)),
        out_shape=jax.ShapeDtypeStruct((_SIZE, _SIZE), jnp.float32),
    )(acc, cnt, b)


def kernel(td_feats, coords, ids, W, b):
    td2 = td_feats.reshape(_NCAM, _C, _M)
    s = _stage1(td2, W.reshape(_C, 1))
    s_flat = s.reshape(_NPTS)

    cam_off = (jnp.arange(_NCAM, dtype=jnp.int32) * _M)[:, None]
    src_idx = (cam_off + ids[:, 1, :] * 200 + ids[:, 0, :]).reshape(_NPTS)
    dst_idx = (coords[:, 0, :] * _SIZE + coords[:, 1, :]).reshape(_NPTS)
    npad = _NPAD - _NPTS
    src_idx = jnp.concatenate(
        [src_idx, jnp.zeros((npad,), jnp.int32)]).reshape(_NW, _NCHUNK, _CHUNK)
    dst_idx = jnp.concatenate(
        [dst_idx, jnp.full((npad,), _NCELL, jnp.int32)]).reshape(_NW, _NCHUNK, _CHUNK)

    zeros = jnp.zeros((_ACC_PAD,), jnp.float32)
    ones = jnp.ones((_NCHUNK, _CHUNK), jnp.float32)
    acc, cnt = _make_sc_kernel()(s_flat, src_idx, dst_idx, zeros, ones)

    logits = _stage3(acc.reshape(_NC, _SIZE, _SIZE),
                     cnt.reshape(_NC, _SIZE, _SIZE), b)
    return logits[None, None, :, :]

# --- scband reference (transcript-rebuilt; emitter-appended) ---
"""Pipeline reference for scband-pyramid-occupancy-network-intermidiate-fusion-29454885716405 (READ-ONLY COPY).

The authoritative reference and input builder live on the scoring server;
editing this copy changes nothing except your own understanding.
"""

import jax, jax.numpy as jnp
import numpy as np

SIZE_SIDE = 400
N_CAMS = 6
C = 256
M = 39200

def setup_inputs(seed: int = 0) -> dict:
    key = jax.random.key(seed)
    ks = jax.random.split(key, 5)
    td_feats = jax.random.normal(ks[0], (N_CAMS, C, 196, 200), dtype=jnp.float32)
    coords = jax.random.randint(ks[1], (N_CAMS, 2, M), 0, SIZE_SIDE, dtype=jnp.int32)
    ids = jax.random.randint(ks[2], (N_CAMS, 2, M), 0, 196, dtype=jnp.int32)
    W = jax.random.normal(ks[3], (1, C), dtype=jnp.float32) * 0.05
    b = jnp.zeros((1,), dtype=jnp.float32)
    return {"td_feats": td_feats, "coords": coords, "ids": ids, "W": W, "b": b}

def reference(td_feats, coords, ids, W, b):
    n_cams = td_feats.shape[0]
    ch = td_feats.shape[1]
    full = jnp.zeros((ch, SIZE_SIDE, SIZE_SIDE), dtype=td_feats.dtype)
    times = jnp.zeros((SIZE_SIDE, SIZE_SIDE), dtype=td_feats.dtype)
    for cam in range(n_cams):
        r = coords[cam, 0]
        c = coords[cam, 1]
        t = td_feats[cam]
        gathered = t[:, ids[cam, 1], ids[cam, 0]]  # [C, M] gather of per-cam topdown feats
        full = full.at[:, r, c].add(gathered)      # scatter-add into shared BEV memory
        times = times.at[r, c].add(1.0)            # visitation count per BEV cell
    denom = jnp.where(times >= 1.0, times, 1.0)
    full = full / denom[None, :, :]
    logits = jnp.tensordot(W, full, axes=([1], [0]))[0] + b[0]  # 1x1-conv classifier
    return logits[None, None, :, :]

if __name__ == "__main__":
    import jax
    _d = setup_inputs()
    print(jax.jit(kernel)(*tuple(_d.values())))

</pallas_src>

<mosaic_0001>
#map = affine_map<(d0, d1) -> (0)>
#map1 = affine_map<(d0, d1) -> (0, 0, 0)>
#map2 = affine_map<(d0, d1) -> (0, 0)>
module attributes {stable_mosaic.version = 14 : i64} {
  func.func @sc_kernel(%arg0: i32, %arg1: i32, %arg2: memref<235200xf32, #tpu.memory_space<hbm>>, %arg3: memref<32x58x128xi32, #tpu.memory_space<hbm>>, %arg4: memref<32x58x128xi32, #tpu.memory_space<hbm>>, %arg5: memref<160008xf32, #tpu.memory_space<hbm>>, %arg6: memref<58x128xf32, #tpu.memory_space<hbm>>, %arg7: memref<2x160000xf32, #tpu.memory_space<hbm>>, %arg8: memref<2x160000xf32, #tpu.memory_space<hbm>>, %arg9: memref<58x128xi32, #tpu.memory_space<vmem>>, %arg10: memref<58x128xi32, #tpu.memory_space<vmem>>, %arg11: memref<58x128xf32, #tpu.memory_space<vmem>>, %arg12: memref<58x128xf32, #tpu.memory_space<vmem>>, %arg13: memref<160008xf32, #tpu.memory_space<vmem_shared>>, %arg14: memref<160008xf32, #tpu.memory_space<vmem_shared>>, %arg15: memref<235200xf32, #tpu.memory_space<vmem_shared>>, %arg16: memref<!tpu.dma_semaphore, #tpu.memory_space<semaphore_mem>>, %arg17: memref<!tpu.dma_semaphore, #tpu.memory_space<semaphore_mem>>) attributes {dimension_semantics = [#tpu.dimension_semantics<core_parallel>, #tpu.dimension_semantics<subcore_parallel>], iteration_bounds = array<i64: 2, 16>, scalar_prefetch = 0 : i64, scratch_operands = 9 : i64, tpu.core_type = #tpu.core_type<sc_vector_subcore>, window_params = [{transform_indices = #map}, {transform_indices = #map1}, {transform_indices = #map1}, {transform_indices = #map}, {transform_indices = #map2}, {transform_indices = #map2}, {transform_indices = #map2}]} {
    %mul3A = arith.constant 2 : i32
    %mul3A_0 = arith.muli %arg1, %mul3A : i32
    %add3A = arith.addi %mul3A_0, %arg0 : i32
    "tpu.region"() ({
      %run_scoped3A = tpu.sem_alloc : memref<!tpu.dma_semaphore, #tpu.memory_space<semaphore_mem>>
      %dma_start3A = arith.constant 0 : i32
      %dma_start3A_20 = arith.constant 0 : i32
      %dma_start3A_21 = tpu.memref_slice %arg3[%add3A, %dma_start3A, %dma_start3A_20] : memref<32x58x128xi32, #tpu.memory_space<hbm>> -> memref<1x58x128xi32, #tpu.memory_space<hbm>>
      %dma_start3A_22 = tpu.memref_squeeze %dma_start3A_21 : memref<1x58x128xi32, #tpu.memory_space<hbm>> -> memref<58x128xi32, #tpu.memory_space<hbm>>
      %dma_start3A_23 = arith.constant 0 : i32
      %dma_start3A_24 = arith.constant 0 : i32
      %dma_start3A_25 = tpu.memref_slice %arg3[%add3A, %dma_start3A_23, %dma_start3A_24] : memref<32x58x128xi32, #tpu.memory_space<hbm>> -> memref<1x58x128xi32, #tpu.memory_space<hbm>>
      %dma_start3A_26 = tpu.memref_squeeze %dma_start3A_25 : memref<1x58x128xi32, #tpu.memory_space<hbm>> -> memref<58x128xi32, #tpu.memory_space<hbm>>
      tpu.enqueue_dma source(%dma_start3A_26 : memref<58x128xi32, #tpu.memory_space<hbm>>) target(%arg9 : memref<58x128xi32, #tpu.memory_space<vmem>>) target_semaphore(%run_scoped3A : memref<!tpu.dma_semaphore, #tpu.memory_space<semaphore_mem>>)
      %dma_wait3A = arith.constant 0 : i32
      %dma_wait3A_27 = arith.constant 0 : i32
      %dma_wait3A_28 = tpu.memref_slice %arg3[%add3A, %dma_wait3A, %dma_wait3A_27] : memref<32x58x128xi32, #tpu.memory_space<hbm>> -> memref<1x58x128xi32, #tpu.memory_space<hbm>>
      %dma_wait3A_29 = tpu.memref_squeeze %dma_wait3A_28 : memref<1x58x128xi32, #tpu.memory_space<hbm>> -> memref<58x128xi32, #tpu.memory_space<hbm>>
      %dma_wait3A_30 = arith.constant 0 : i32
      %dma_wait3A_31 = arith.constant 0 : i32
      %dma_wait3A_32 = tpu.memref_slice %arg3[%add3A, %dma_wait3A_30, %dma_wait3A_31] : memref<32x58x128xi32, #tpu.memory_space<hbm>> -> memref<1x58x128xi32, #tpu.memory_space<hbm>>
      %dma_wait3A_33 = tpu.memref_squeeze %dma_wait3A_32 : memref<1x58x128xi32, #tpu.memory_space<hbm>> -> memref<58x128xi32, #tpu.memory_space<hbm>>
      tpu.wait_dma2 semaphore(%run_scoped3A : memref<!tpu.dma_semaphore, #tpu.memory_space<semaphore_mem>>) src(%dma_wait3A_33 : memref<58x128xi32, #tpu.memory_space<hbm>>) dst(%arg9 : memref<58x128xi32, #tpu.memory_space<vmem>>)
      tpu.yield
    }) : () -> ()
    "tpu.region"() ({
      %run_scoped3A = tpu.sem_alloc : memref<!tpu.dma_semaphore, #tpu.memory_space<semaphore_mem>>
      %dma_start3A = arith.constant 0 : i32
      %dma_start3A_20 = arith.constant 0 : i32
      %dma_start3A_21 = tpu.memref_slice %arg4[%add3A, %dma_start3A, %dma_start3A_20] : memref<32x58x128xi32, #tpu.memory_space<hbm>> -> memref<1x58x128xi32, #tpu.memory_space<hbm>>
      %dma_start3A_22 = tpu.memref_squeeze %dma_start3A_21 : memref<1x58x128xi32, #tpu.memory_space<hbm>> -> memref<58x128xi32, #tpu.memory_space<hbm>>
      %dma_start3A_23 = arith.constant 0 : i32
      %dma_start3A_24 = arith.constant 0 : i32
      %dma_start3A_25 = tpu.memref_slice %arg4[%add3A, %dma_start3A_23, %dma_start3A_24] : memref<32x58x128xi32, #tpu.memory_space<hbm>> -> memref<1x58x128xi32, #tpu.memory_space<hbm>>
      %dma_start3A_26 = tpu.memref_squeeze %dma_start3A_25 : memref<1x58x128xi32, #tpu.memory_space<hbm>> -> memref<58x128xi32, #tpu.memory_space<hbm>>
      tpu.enqueue_dma source(%dma_start3A_26 : memref<58x128xi32, #tpu.memory_space<hbm>>) target(%arg10 : memref<58x128xi32, #tpu.memory_space<vmem>>) target_semaphore(%run_scoped3A : memref<!tpu.dma_semaphore, #tpu.memory_space<semaphore_mem>>)
      %dma_wait3A = arith.constant 0 : i32
      %dma_wait3A_27 = arith.constant 0 : i32
      %dma_wait3A_28 = tpu.memref_slice %arg4[%add3A, %dma_wait3A, %dma_wait3A_27] : memref<32x58x128xi32, #tpu.memory_space<hbm>> -> memref<1x58x128xi32, #tpu.memory_space<hbm>>
      %dma_wait3A_29 = tpu.memref_squeeze %dma_wait3A_28 : memref<1x58x128xi32, #tpu.memory_space<hbm>> -> memref<58x128xi32, #tpu.memory_space<hbm>>
      %dma_wait3A_30 = arith.constant 0 : i32
      %dma_wait3A_31 = arith.constant 0 : i32
      %dma_wait3A_32 = tpu.memref_slice %arg4[%add3A, %dma_wait3A_30, %dma_wait3A_31] : memref<32x58x128xi32, #tpu.memory_space<hbm>> -> memref<1x58x128xi32, #tpu.memory_space<hbm>>
      %dma_wait3A_33 = tpu.memref_squeeze %dma_wait3A_32 : memref<1x58x128xi32, #tpu.memory_space<hbm>> -> memref<58x128xi32, #tpu.memory_space<hbm>>
      tpu.wait_dma2 semaphore(%run_scoped3A : memref<!tpu.dma_semaphore, #tpu.memory_space<semaphore_mem>>) src(%dma_wait3A_33 : memref<58x128xi32, #tpu.memory_space<hbm>>) dst(%arg10 : memref<58x128xi32, #tpu.memory_space<vmem>>)
      tpu.yield
    }) : () -> ()
    "tpu.region"() ({
      %run_scoped3A = tpu.sem_alloc : memref<!tpu.dma_semaphore, #tpu.memory_space<semaphore_mem>>
      tpu.enqueue_dma source(%arg6 : memref<58x128xf32, #tpu.memory_space<hbm>>) target(%arg12 : memref<58x128xf32, #tpu.memory_space<vmem>>) target_semaphore(%run_scoped3A : memref<!tpu.dma_semaphore, #tpu.memory_space<semaphore_mem>>)
      tpu.wait_dma2 semaphore(%run_scoped3A : memref<!tpu.dma_semaphore, #tpu.memory_space<semaphore_mem>>) src(%arg6 : memref<58x128xf32, #tpu.memory_space<hbm>>) dst(%arg12 : memref<58x128xf32, #tpu.memory_space<vmem>>)
      tpu.yield
    }) : () -> ()
    %eq3A = arith.constant 0 : i32
    %eq3A_1 = arith.cmpi eq, %arg1, %eq3A : i32
    %convert_element_type3A = arith.extui %eq3A_1 : i1 to i32
    %cond3A = arith.constant 0 : i32
    %cond3A_2 = arith.cmpi ne, %convert_element_type3A, %cond3A : i32
    scf.if %cond3A_2 {
      "tpu.region"() ({
        %run_scoped3A = tpu.sem_alloc : memref<!tpu.dma_semaphore, #tpu.memory_space<semaphore_mem>>
        tpu.enqueue_dma source(%arg5 : memref<160008xf32, #tpu.memory_space<hbm>>) target(%arg13 : memref<160008xf32, #tpu.memory_space<vmem_shared>>) target_semaphore(%run_scoped3A : memref<!tpu.dma_semaphore, #tpu.memory_space<semaphore_mem>>)
        tpu.wait_dma2 semaphore(%run_scoped3A : memref<!tpu.dma_semaphore, #tpu.memory_space<semaphore_mem>>) src(%arg5 : memref<160008xf32, #tpu.memory_space<hbm>>) dst(%arg13 : memref<160008xf32, #tpu.memory_space<vmem_shared>>)
        tpu.yield
      }) : () -> ()
      "tpu.region"() ({
        %run_scoped3A = tpu.sem_alloc : memref<!tpu.dma_semaphore, #tpu.memory_space<semaphore_mem>>
        tpu.enqueue_dma source(%arg5 : memref<160008xf32, #tpu.memory_space<hbm>>) target(%arg14 : memref<160008xf32, #tpu.memory_space<vmem_shared>>) target_semaphore(%run_scoped3A : memref<!tpu.dma_semaphore, #tpu.memory_space<semaphore_mem>>)
        tpu.wait_dma2 semaphore(%run_scoped3A : memref<!tpu.dma_semaphore, #tpu.memory_space<semaphore_mem>>) src(%arg5 : memref<160008xf32, #tpu.memory_space<hbm>>) dst(%arg14 : memref<160008xf32, #tpu.memory_space<vmem_shared>>)
        tpu.yield
      }) : () -> ()
      "tpu.region"() ({
        %run_scoped3A = tpu.sem_alloc : memref<!tpu.dma_semaphore, #tpu.memory_space<semaphore_mem>>
        tpu.enqueue_dma source(%arg2 : memref<235200xf32, #tpu.memory_space<hbm>>) target(%arg15 : memref<235200xf32, #tpu.memory_space<vmem_shared>>) target_semaphore(%run_scoped3A : memref<!tpu.dma_semaphore, #tpu.memory_space<semaphore_mem>>)
        tpu.wait_dma2 semaphore(%run_scoped3A : memref<!tpu.dma_semaphore, #tpu.memory_space<semaphore_mem>>) src(%arg2 : memref<235200xf32, #tpu.memory_space<hbm>>) dst(%arg15 : memref<235200xf32, #tpu.memory_space<vmem_shared>>)
        tpu.yield
      }) : () -> ()
    } else {
    }
    %barrier3A = arith.constant 0 : index
    tpu.barrier barrier_id(%barrier3A)
    %scan3A = arith.constant 0 : i32
    %scan3A_3 = arith.constant 0 : i32
    %scan3A_4 = arith.constant 58 : i32
    %scan3A_5 = arith.addi %scan3A_3, %scan3A_4 : i32
    %scan3A_6 = arith.constant 1 : i32
    scf.for %scan3A_20 = %scan3A_3 to %scan3A_5 step %scan3A_6  : i32 {
      %dma_start3A = arith.constant 0 : i32
      %dma_start3A_21 = tpu.memref_slice %arg11[%scan3A_20, %dma_start3A] : memref<58x128xf32, #tpu.memory_space<vmem>> -> memref<1x128xf32, #tpu.memory_space<vmem>>
      %dma_start3A_22 = tpu.memref_squeeze %dma_start3A_21 : memref<1x128xf32, #tpu.memory_space<vmem>> -> memref<128xf32, #tpu.memory_space<vmem>>
      %dma_start3A_23 = arith.constant 0 : i32
      %dma_start3A_24 = tpu.memref_slice %arg9[%scan3A_20, %dma_start3A_23] : memref<58x128xi32, #tpu.memory_space<vmem>> -> memref<1x128xi32, #tpu.memory_space<vmem>>
      %dma_start3A_25 = tpu.memref_squeeze %dma_start3A_24 : memref<1x128xi32, #tpu.memory_space<vmem>> -> memref<128xi32, #tpu.memory_space<vmem>>
      %dma_start3A_26 = arith.constant 0 : i32
      %dma_start3A_27 = tpu.memref_slice %arg15[%dma_start3A_26] : memref<235200xf32, #tpu.memory_space<vmem_shared>> -> memref<235200xf32, #tpu.memory_space<vmem_shared>>
      tpu.enqueue_indirect_dma source(%dma_start3A_27 : memref<235200xf32, #tpu.memory_space<vmem_shared>>) target(%dma_start3A_22 : memref<128xf32, #tpu.memory_space<vmem>>) offsets(%dma_start3A_25 : memref<128xi32, #tpu.memory_space<vmem>>) semaphore(%arg16 : memref<!tpu.dma_semaphore, #tpu.memory_space<semaphore_mem>>)
    }
    %scan3A_7 = arith.constant 58 : i32
    tpu.wait_dma2 semaphore(%arg16 : memref<!tpu.dma_semaphore, #tpu.memory_space<semaphore_mem>>) src(%arg6 : memref<58x128xf32, #tpu.memory_space<hbm>>) dst(%arg11 : memref<58x128xf32, #tpu.memory_space<vmem>>)
    %scan3A_8 = arith.constant 0 : i32
    %scan3A_9 = arith.constant 0 : i32
    %scan3A_10 = arith.constant 58 : i32
    %scan3A_11 = arith.addi %scan3A_9, %scan3A_10 : i32
    %scan3A_12 = arith.constant 1 : i32
    scf.for %scan3A_20 = %scan3A_9 to %scan3A_11 step %scan3A_12  : i32 {
      %dma_start3A = arith.constant 0 : i32
      %dma_start3A_21 = tpu.memref_slice %arg11[%scan3A_20, %dma_start3A] : memref<58x128xf32, #tpu.memory_space<vmem>> -> memref<1x128xf32, #tpu.memory_space<vmem>>
      %dma_start3A_22 = tpu.memref_squeeze %dma_start3A_21 : memref<1x128xf32, #tpu.memory_space<vmem>> -> memref<128xf32, #tpu.memory_space<vmem>>
      %dma_start3A_23 = arith.constant 0 : i32
      %dma_start3A_24 = tpu.memref_slice %arg10[%scan3A_20, %dma_start3A_23] : memref<58x128xi32, #tpu.memory_space<vmem>> -> memref<1x128xi32, #tpu.memory_space<vmem>>
      %dma_start3A_25 = tpu.memref_squeeze %dma_start3A_24 : memref<1x128xi32, #tpu.memory_space<vmem>> -> memref<128xi32, #tpu.memory_space<vmem>>
      %dma_start3A_26 = arith.constant 0 : i32
      %dma_start3A_27 = tpu.memref_slice %arg13[%dma_start3A_26] : memref<160008xf32, #tpu.memory_space<vmem_shared>> -> memref<160008xf32, #tpu.memory_space<vmem_shared>>
      tpu.enqueue_indirect_dma source(%dma_start3A_22 : memref<128xf32, #tpu.memory_space<vmem>>) target(%dma_start3A_27 : memref<160008xf32, #tpu.memory_space<vmem_shared>>) offsets(%dma_start3A_25 : memref<128xi32, #tpu.memory_space<vmem>>) semaphore(%arg17 : memref<!tpu.dma_semaphore, #tpu.memory_space<semaphore_mem>>) {add = true}
      %dma_start3A_28 = arith.constant 0 : i32
      %dma_start3A_29 = tpu.memref_slice %arg12[%scan3A_20, %dma_start3A_28] : memref<58x128xf32, #tpu.memory_space<vmem>> -> memref<1x128xf32, #tpu.memory_space<vmem>>
      %dma_start3A_30 = tpu.memref_squeeze %dma_start3A_29 : memref<1x128xf32, #tpu.memory_space<vmem>> -> memref<128xf32, #tpu.memory_space<vmem>>
      %dma_start3A_31 = arith.constant 0 : i32
      %dma_start3A_32 = tpu.memref_slice %arg10[%scan3A_20, %dma_start3A_31] : memref<58x128xi32, #tpu.memory_space<vmem>> -> memref<1x128xi32, #tpu.memory_space<vmem>>
      %dma_start3A_33 = tpu.memref_squeeze %dma_start3A_32 : memref<1x128xi32, #tpu.memory_space<vmem>> -> memref<128xi32, #tpu.memory_space<vmem>>
      %dma_start3A_34 = arith.constant 0 : i32
      %dma_start3A_35 = tpu.memref_slice %arg14[%dma_start3A_34] : memref<160008xf32, #tpu.memory_space<vmem_shared>> -> memref<160008xf32, #tpu.memory_space<vmem_shared>>
      tpu.enqueue_indirect_dma source(%dma_start3A_30 : memref<128xf32, #tpu.memory_space<vmem>>) target(%dma_start3A_35 : memref<160008xf32, #tpu.memory_space<vmem_shared>>) offsets(%dma_start3A_33 : memref<128xi32, #tpu.memory_space<vmem>>) semaphore(%arg17 : memref<!tpu.dma_semaphore, #tpu.memory_space<semaphore_mem>>) {add = true}
    }
    %scan3A_13 = arith.constant 58 : i32
    tpu.wait_dma2 semaphore(%arg17 : memref<!tpu.dma_semaphore, #tpu.memory_space<semaphore_mem>>) src(%arg6 : memref<58x128xf32, #tpu.memory_space<hbm>>) dst(%arg11 : memref<58x128xf32, #tpu.memory_space<vmem>>)
    tpu.wait_dma2 semaphore(%arg17 : memref<!tpu.dma_semaphore, #tpu.memory_space<semaphore_mem>>) src(%arg6 : memref<58x128xf32, #tpu.memory_space<hbm>>) dst(%arg12 : memref<58x128xf32, #tpu.memory_space<vmem>>)
    %barrier3A_14 = arith.constant 0 : index
    tpu.barrier barrier_id(%barrier3A_14)
    %eq3A_15 = arith.constant 0 : i32
    %eq3A_16 = arith.cmpi eq, %arg1, %eq3A_15 : i32
    %convert_element_type3A_17 = arith.extui %eq3A_16 : i1 to i32
    %cond3A_18 = arith.constant 0 : i32
    %cond3A_19 = arith.cmpi ne, %convert_element_type3A_17, %cond3A_18 : i32
    scf.if %cond3A_19 {
      "tpu.region"() ({
        %run_scoped3A = tpu.sem_alloc : memref<!tpu.dma_semaphore, #tpu.memory_space<semaphore_mem>>
        %dma_start3A = arith.constant 0 : i32
        %dma_start3A_20 = tpu.memref_slice %arg7[%arg0, %dma_start3A] : memref<2x160000xf32, #tpu.memory_space<hbm>> -> memref<1x160000xf32, #tpu.memory_space<hbm>>
        %dma_start3A_21 = tpu.memref_squeeze %dma_start3A_20 : memref<1x160000xf32, #tpu.memory_space<hbm>> -> memref<160000xf32, #tpu.memory_space<hbm>>
        %dma_start3A_22 = arith.constant 0 : i32
        %dma_start3A_23 = tpu.memref_slice %arg13[%dma_start3A_22] : memref<160008xf32, #tpu.memory_space<vmem_shared>> -> memref<160000xf32, #tpu.memory_space<vmem_shared>>
        tpu.enqueue_dma source(%dma_start3A_23 : memref<160000xf32, #tpu.memory_space<vmem_shared>>) target(%dma_start3A_21 : memref<160000xf32, #tpu.memory_space<hbm>>) target_semaphore(%run_scoped3A : memref<!tpu.dma_semaphore, #tpu.memory_space<semaphore_mem>>)
        %dma_wait3A = arith.constant 0 : i32
        %dma_wait3A_24 = tpu.memref_slice %arg7[%arg0, %dma_wait3A] : memref<2x160000xf32, #tpu.memory_space<hbm>> -> memref<1x160000xf32, #tpu.memory_space<hbm>>
        %dma_wait3A_25 = tpu.memref_squeeze %dma_wait3A_24 : memref<1x160000xf32, #tpu.memory_space<hbm>> -> memref<160000xf32, #tpu.memory_space<hbm>>
        %dma_wait3A_26 = arith.constant 0 : i32
        %dma_wait3A_27 = tpu.memref_slice %arg13[%dma_wait3A_26] : memref<160008xf32, #tpu.memory_space<vmem_shared>> -> memref<160000xf32, #tpu.memory_space<vmem_shared>>
        tpu.wait_dma2 semaphore(%run_scoped3A : memref<!tpu.dma_semaphore, #tpu.memory_space<semaphore_mem>>) src(%dma_wait3A_27 : memref<160000xf32, #tpu.memory_space<vmem_shared>>) dst(%dma_wait3A_25 : memref<160000xf32, #tpu.memory_space<hbm>>)
        tpu.yield
      }) : () -> ()
      "tpu.region"() ({
        %run_scoped3A = tpu.sem_alloc : memref<!tpu.dma_semaphore, #tpu.memory_space<semaphore_mem>>
        %dma_start3A = arith.constant 0 : i32
        %dma_start3A_20 = tpu.memref_slice %arg8[%arg0, %dma_start3A] : memref<2x160000xf32, #tpu.memory_space<hbm>> -> memref<1x160000xf32, #tpu.memory_space<hbm>>
        %dma_start3A_21 = tpu.memref_squeeze %dma_start3A_20 : memref<1x160000xf32, #tpu.memory_space<hbm>> -> memref<160000xf32, #tpu.memory_space<hbm>>
        %dma_start3A_22 = arith.constant 0 : i32
        %dma_start3A_23 = tpu.memref_slice %arg14[%dma_start3A_22] : memref<160008xf32, #tpu.memory_space<vmem_shared>> -> memref<160000xf32, #tpu.memory_space<vmem_shared>>
        tpu.enqueue_dma source(%dma_start3A_23 : memref<160000xf32, #tpu.memory_space<vmem_shared>>) target(%dma_start3A_21 : memref<160000xf32, #tpu.memory_space<hbm>>) target_semaphore(%run_scoped3A : memref<!tpu.dma_semaphore, #tpu.memory_space<semaphore_mem>>)
        %dma_wait3A = arith.constant 0 : i32
        %dma_wait3A_24 = tpu.memref_slice %arg8[%arg0, %dma_wait3A] : memref<2x160000xf32, #tpu.memory_space<hbm>> -> memref<1x160000xf32, #tpu.memory_space<hbm>>
        %dma_wait3A_25 = tpu.memref_squeeze %dma_wait3A_24 : memref<1x160000xf32, #tpu.memory_space<hbm>> -> memref<160000xf32, #tpu.memory_space<hbm>>
        %dma_wait3A_26 = arith.constant 0 : i32
        %dma_wait3A_27 = tpu.memref_slice %arg14[%dma_wait3A_26] : memref<160008xf32, #tpu.memory_space<vmem_shared>> -> memref<160000xf32, #tpu.memory_space<vmem_shared>>
        tpu.wait_dma2 semaphore(%run_scoped3A : memref<!tpu.dma_semaphore, #tpu.memory_space<semaphore_mem>>) src(%dma_wait3A_27 : memref<160000xf32, #tpu.memory_space<vmem_shared>>) dst(%dma_wait3A_25 : memref<160000xf32, #tpu.memory_space<hbm>>)
        tpu.yield
      }) : () -> ()
    } else {
    }
    return
  }
}

module attributes {stable_mosaic.version = 14 : i64} {
  func.func @_s1_body(%arg0: i32, %arg1: i32, %arg2: memref<64x1xf32, #tpu.memory_space<vmem>>, %arg3: memref<1x64x39200xf32, #tpu.memory_space<vmem>>, %arg4: memref<1x1x39200xf32, #tpu.memory_space<vmem>>) attributes {dimension_semantics = [#tpu.dimension_semantics<arbitrary>, #tpu.dimension_semantics<arbitrary>], iteration_bounds = array<i64: 6, 4>, scalar_prefetch = 0 : i64, scratch_operands = 0 : i64, tpu.core_type = #tpu.core_type<tc>, window_params = [{transform_indices = @transform_0, window_bounds = array<i64: 64, 1>}, {transform_indices = @transform_1, window_bounds = array<i64: 1, 64, 39200>}, {transform_indices = @transform_2, window_bounds = array<i64: 1, 1, 39200>}]} {
    %get3A = arith.constant 0 : index
    %get3A_0 = arith.constant 0 : index
    %get3A_1 = vector.load %arg2[%get3A, %get3A_0] : memref<64x1xf32, #tpu.memory_space<vmem>>, vector<64x1xf32>
    %get3A_2 = arith.constant 0 : index
    %get3A_3 = arith.constant 0 : index
    %get3A_4 = arith.constant 0 : index
    %get3A_5 = vector.load %arg3[%get3A_2, %get3A_3, %get3A_4] : memref<1x64x39200xf32, #tpu.memory_space<vmem>>, vector<1x64x39200xf32>
    %get3A_6 = vector.shape_cast %get3A_5 : vector<1x64x39200xf32> to vector<64x39200xf32>
    %dot_general3A = arith.constant dense<0.000000e+00> : vector<1x39200xf32>
    %dot_general3A_7 = tpu.matmul %get3A_1, %get3A_6, %dot_general3A {dimension_numbers = #tpu.dot_dimension_numbers<[0], [0], [1], [1], [0, 1, 1, 1], [], []>, transpose_lhs_hint = false} : vector<64x1xf32>, vector<64x39200xf32>, vector<1x39200xf32> -> vector<1x39200xf32>
    %eq3A = arith.constant 0 : i32
    %eq3A_8 = arith.cmpi eq, %arg1, %eq3A : i32
    %convert_element_type3A = arith.extui %eq3A_8 : i1 to i32
    %cond3A = arith.constant 0 : i32
    %cond3A_9 = arith.cmpi ne, %convert_element_type3A, %cond3A : i32
    scf.if %cond3A_9 {
      %swap3A = arith.constant 0 : index
      %swap3A_14 = arith.constant 0 : index
      %swap3A_15 = arith.constant 0 : index
      %swap3A_16 = vector.load %arg4[%swap3A, %swap3A_14, %swap3A_15] : memref<1x1x39200xf32, #tpu.memory_space<vmem>>, vector<1x1x39200xf32>
      %swap3A_17 = vector.shape_cast %swap3A_16 : vector<1x1x39200xf32> to vector<1x39200xf32>
      %swap3A_18 = vector.shape_cast %dot_general3A_7 : vector<1x39200xf32> to vector<1x1x39200xf32>
      tpu.vector_store %arg4[%swap3A, %swap3A_14, %swap3A_15], %swap3A_18 {strides = array<i32>} : memref<1x1x39200xf32, #tpu.memory_space<vmem>>, vector<1x1x39200xf32>,
    } else {
    }
    %ne3A = arith.constant 0 : i32
    %ne3A_10 = arith.cmpi ne, %arg1, %ne3A : i32
    %convert_element_type3A_11 = arith.extui %ne3A_10 : i1 to i32
    %cond3A_12 = arith.constant 0 : i32
    %cond3A_13 = arith.cmpi ne, %convert_element_type3A_11, %cond3A_12 : i32
    scf.if %cond3A_13 {
      %get3A_14 = arith.constant 0 : index
      %get3A_15 = arith.constant 0 : index
      %get3A_16 = arith.constant 0 : index
      %get3A_17 = vector.load %arg4[%get3A_14, %get3A_15, %get3A_16] : memref<1x1x39200xf32, #tpu.memory_space<vmem>>, vector<1x1x39200xf32>
      %get3A_18 = vector.shape_cast %get3A_17 : vector<1x1x39200xf32> to vector<1x39200xf32>
      %add3A = arith.addf %get3A_18, %dot_general3A_7 : vector<1x39200xf32>
      %swap3A = arith.constant 0 : index
      %swap3A_19 = arith.constant 0 : index
      %swap3A_20 = arith.constant 0 : index
      %swap3A_21 = vector.load %arg4[%swap3A, %swap3A_19, %swap3A_20] : memref<1x1x39200xf32, #tpu.memory_space<vmem>>, vector<1x1x39200xf32>
      %swap3A_22 = vector.shape_cast %swap3A_21 : vector<1x1x39200xf32> to vector<1x39200xf32>
      %swap3A_23 = vector.shape_cast %add3A : vector<1x39200xf32> to vector<1x1x39200xf32>
      tpu.vector_store %arg4[%swap3A, %swap3A_19, %swap3A_20], %swap3A_23 {strides = array<i32>} : memref<1x1x39200xf32, #tpu.memory_space<vmem>>, vector<1x1x39200xf32>,
    } else {
    }
    return
  }
  func.func @transform_0(%arg0: i32, %arg1: i32) -> (i32, i32) {
    %c0_i32 = arith.constant 0 : i32
    %c0_i32_0 = arith.constant 0 : i32
    return %arg1, %c0_i32 : i32, i32
  }
  func.func @transform_1(%arg0: i32, %arg1: i32) -> (i32, i32, i32) {
    %c0_i32 = arith.constant 0 : i32
    %c0_i32_0 = arith.constant 0 : i32
    return %arg0, %arg1, %c0_i32 : i32, i32, i32
  }
  func.func @transform_2(%arg0: i32, %arg1: i32) -> (i32, i32, i32) {
    %c0_i32 = arith.constant 0 : i32
    %c0_i32_0 = arith.constant 0 : i32
    %c0_i32_1 = arith.constant 0 : i32
    return %arg0, %c0_i32, %c0_i32_0 : i32, i32, i32
  }
}

module attributes {stable_mosaic.version = 14 : i64} {
  func.func @_s3_body(%arg0: memref<2x400x400xf32, #tpu.memory_space<vmem>>, %arg1: memref<2x400x400xf32, #tpu.memory_space<vmem>>, %arg2: memref<1xf32, #tpu.memory_space<smem>>, %arg3: memref<400x400xf32, #tpu.memory_space<vmem>>) attributes {dimension_semantics = [], scalar_prefetch = 0 : i64, scratch_operands = 0 : i64, tpu.core_type = #tpu.core_type<tc>} {
    %get3A = arith.constant 0 : index
    %get3A_0 = arith.constant 0 : index
    %get3A_1 = arith.constant 0 : index
    %get3A_2 = vector.load %arg0[%get3A, %get3A_0, %get3A_1] : memref<2x400x400xf32, #tpu.memory_space<vmem>>, vector<1x400x400xf32>
    %get3A_3 = vector.shape_cast %get3A_2 : vector<1x400x400xf32> to vector<400x400xf32>
    %get3A_4 = arith.constant 1 : index
    %get3A_5 = arith.constant 0 : index
    %get3A_6 = arith.constant 0 : index
    %get3A_7 = vector.load %arg0[%get3A_4, %get3A_5, %get3A_6] : memref<2x400x400xf32, #tpu.memory_space<vmem>>, vector<1x400x400xf32>
    %get3A_8 = vector.shape_cast %get3A_7 : vector<1x400x400xf32> to vector<400x400xf32>
    %add3A = arith.addf %get3A_3, %get3A_8 : vector<400x400xf32>
    %get3A_9 = arith.constant 0 : index
    %get3A_10 = arith.constant 0 : index
    %get3A_11 = arith.constant 0 : index
    %get3A_12 = vector.load %arg1[%get3A_9, %get3A_10, %get3A_11] : memref<2x400x400xf32, #tpu.memory_space<vmem>>, vector<1x400x400xf32>
    %get3A_13 = vector.shape_cast %get3A_12 : vector<1x400x400xf32> to vector<400x400xf32>
    %get3A_14 = arith.constant 1 : index
    %get3A_15 = arith.constant 0 : index
    %get3A_16 = arith.constant 0 : index
    %get3A_17 = vector.load %arg1[%get3A_14, %get3A_15, %get3A_16] : memref<2x400x400xf32, #tpu.memory_space<vmem>>, vector<1x400x400xf32>
    %get3A_18 = vector.shape_cast %get3A_17 : vector<1x400x400xf32> to vector<400x400xf32>
    %add3A_19 = arith.addf %get3A_13, %get3A_18 : vector<400x400xf32>
    %ge3A = arith.constant 1.000000e+00 : f32
    %ge3A_20 = vector.broadcast %ge3A : f32 to vector<400x400xf32>
    %ge3A_21 = arith.cmpf oge, %add3A_19, %ge3A_20 : vector<400x400xf32>
    %jit3A = arith.constant 1.000000e+00 : f32
    %broadcast_in_dim3A = vector.broadcast %jit3A : f32 to vector<400x400xf32>
    %select_n3A = arith.select %ge3A_21, %add3A_19, %broadcast_in_dim3A : vector<400x400xi1>, vector<400x400xf32>
    %div3A = arith.divf %add3A, %select_n3A : vector<400x400xf32>
    %get3A_22 = arith.constant 0 : index
    %get3A_23 = memref.load %arg2[%get3A_22] : memref<1xf32, #tpu.memory_space<smem>>
    %add3A_24 = vector.broadcast %get3A_23 : f32 to vector<400x400xf32>
    %add3A_25 = arith.addf %div3A, %add3A_24 : vector<400x400xf32>
    %swap3A = arith.constant 0 : index
    %swap3A_26 = arith.constant 0 : index
    %swap3A_27 = vector.load %arg3[%swap3A, %swap3A_26] : memref<400x400xf32, #tpu.memory_space<vmem>>, vector<400x400xf32>
    tpu.vector_store %arg3[%swap3A, %swap3A_26], %add3A_25 {strides = array<i32>} : memref<400x400xf32, #tpu.memory_space<vmem>>, vector<400x400xf32>,
    return
  }
}

</mosaic_0001>

<sc_bundles>
// kernel: kernel.5.cloned.1.call-start
scs
__scs_entry_jumppad:
0x0: {  	(pc) =	sbr.rel $0x88, $3  }
0x1: {  	(tag) =	ssettag $0x0;
	lr =	simm.s32 $0x1  }
0x2: {  	[smem:$0x3F9C] =	sst lr;
	_ =	strace $0xD0000000  }
0x3: {  	_ = 	snop  }
0x4: {  	_ = 	snop  }
0x5: {  	_ = 	snop  }
0x6: {  	_ = 	snop  }
0x7: {  	_ = 	snop  }
__scs_overlays_trampoline_lowered:
0x8: {  	[smem:$0x3FAB] =	sst s0  }
0x9: {  	[smem:$0x3FAC] =	sst s1  }
0xa: {  	[smem:$0x3FAD] =	sst s2  }
0xb: {  	[smem:$0x3FAE] =	sst s3  }
0xc: {  	[smem:$0x3FAF] =	sst s4  }
0xd: {  	[smem:$0x3FB0] =	sst s5  }
0xe: {  	[smem:$0x3FB1] =	sst s6  }
0xf: {  	[smem:$0x3FB2] =	sst s7  }
0x10: {  	[smem:$0x3FB3] =	sst s8  }
0x11: {  	[smem:$0x3FB4] =	sst s9;
	s0 =	simm.s32 @!p0 $0x0  }
0x12: {  	s1 =	sld [smem:$0x3F9A];
	s0 =	simm.s32 @p0 $0x1  }
0x13: {  	[smem:$0x3FB5] =	sst s0;
	s0 =	simm.s32 @!p1 $0x0  }
0x14: {  	s2 =	sld [smem:$0x3F99];
	s0 =	simm.s32 @p1 $0x1  }
0x15: {  	[smem:$0x3FB6] =	sst s0;
	s0 =	simm.s32 @!p2 $0x0  }
0x16: {  	s3 =	sld [smem:$0x3FDB];
	s0 =	simm.s32 @p2 $0x1  }
0x17: {  	s4 =	simm.s32 $0x1BF5;
	[smem:$0x3FB8] =	sst s0  }
0x18: {  	s0 =	sld [smem:$0x3F9B];
	_ =	swait.ge [sflag:s4], $0x0  }
0x19: {  	s7 =	sld [smem:$0x3F9C]  }
0x1a: {  	s8 =	sadd.s32 $0xFFFFE003, lr  }
0x1b: {  	s9 =	sadd.s32 $0xFFFFFEF7, lr;
	s5 =	simm.s32 $0xFFFFFFFF;
	p2 =	slt.u32 s8, $0xFFFFF086  }
0x1c: {  	p1 =	slt.u32 s9, $0xF7A;
	s5 =	simm.s32 @!p2 $0x0  }
0x1d: {  	s5 =	simm.s32 @p1 $0x1;
	p0 =	seq.s32 s7, s2  }
0x1e: {  	s7 =	smul.u32 @!p0 $0xF7A, s2;
	p2 =	seq.s32 @!p0 s5, $0x0  }
0x1f: {  	s9 =	smul.u32 $0xF7A, s1;
	s8 =	simm.s32 @!p0 $0x1BF5;
	p2 =	por !p2, p0  }
0x20: {  	[sflag:s8] =	ssyncset.s32 @!p0 $0xFFFFF086;
	s6 =	sadd.s32 @!p0 s3, s7;
	s7 =	simm.s32 @!p0 $0x108  }
0x21: {  	s3 =	sadd.s32 s3, s9;
	s6 =	sadd.s32 @!p0 $0x88, s6;
	s7 =	simm.s32 @p2 $0x1082  }
0x22: {  	[simem:s7], [sflag:s8] =	dma.local @!p0 [hbm:s6], $0xF7A  }
0x23: {  	s9 =	sor.u32 $0xD0000000, s2;
	s6 =	simm.s32 $0x108;
	_ =	swait.ge @!p0 [sflag:s8], $0x0  }
0x24: {  	s3 =	sadd.s32 $0x88, s3;
	s6 =	simm.s32 @!p1 $0x1082;
	[sflag:s4] =	ssyncset.s32 $0xFFFFF086  }
0x25: {  	[simem:s6], [sflag:s4] =	dma.local [hbm:s3], $0xF7A  }
0x26: {  	[smem:$0x3F9C] =	sst s1;
	(tag) =	ssettag s2;
	_ =	strace s9  }
0x27: {  	s1 =	sld [smem:$0x3FAC]  }
0x28: {  	s2 =	sld [smem:$0x3FAD]  }
0x29: {  	s4 =	sld [smem:$0x3FAF]  }
0x2a: {  	p0 =	seq.s32 s5, $0x0;
	s5 =	sld [smem:$0x3FB0]  }
0x2b: {  	s6 =	sld [smem:$0x3FB1]  }
0x2c: {  	s7 =	sld [smem:$0x3FB2]  }
0x2d: {  	s3 =	simm.s32 $0x108;
	s8 =	sld [smem:$0x3FB3]  }
0x2e: {  	s3 =	simm.s32 @!p0 $0x1082;
	s9 =	sld [smem:$0x3FB4]  }
0x2f: {  	lr =	sadd.s32 s0, s3;
	s0 =	sld [smem:$0x3FAB]  }
0x30: {  	s3 =	sld [smem:$0x3FAE]  }
0x31: {  	[smem:$0x3FB7] =	sst s10  }
0x32: {  	s10 =	sld [smem:$0x3FB5];
	_ =	sdelay $0x3  }
0x33: {  	p0 =	seq.s32 s10, $0x1;
	s10 =	sld [smem:$0x3FB7];
	_ =	sdelay $0x3  }
0x34: {  	[smem:$0x3FB7] =	sst s10  }
0x35: {  	s10 =	sld [smem:$0x3FB6];
	_ =	sdelay $0x3  }
0x36: {  	p1 =	seq.s32 s10, $0x1;
	s10 =	sld [smem:$0x3FB7];
	_ =	sdelay $0x3  }
0x37: {  	[smem:$0x3FB7] =	sst s10  }
0x38: {  	s10 =	sld [smem:$0x3FB8]  }
0x39: {  	_ = 	snop;
	(pc) =	sbr.ind lr, $3  }
0x3a: {  	_ = 	snop  }
0x3b: {  	_ = 	snop  }
0x3c: {  	p2 =	seq.s32 s10, $0x1;
	s10 =	sld [smem:$0x3FB7]  }
0x3d: {  	_ =	shalt  }
0x3e: {  	_ =	shalt  }
0x3f: {  	_ =	shalt  }
0x40: {  	_ =	shalt  }
0x41: {  	_ =	shalt  }
0x42: {  	_ =	shalt  }
0x43: {  	_ =	shalt  }
0x44: {  	_ =	shalt  }
0x45: {  	_ =	shalt  }
0x46: {  	_ =	shalt  }
0x47: {  	_ =	shalt  }
0x48: {  	_ =	shalt  }
0x49: {  	_ =	shalt  }
0x4a: {  	_ =	shalt  }
0x4b: {  	_ =	shalt  }
0x4c: {  	_ =	shalt  }
0x4d: {  	_ =	shalt  }
0x4e: {  	_ =	shalt  }
0x4f: {  	_ =	shalt  }
0x50: {  	_ =	shalt  }
0x51: {  	_ =	shalt  }
0x52: {  	_ =	shalt  }
0x53: {  	_ =	shalt  }
0x54: {  	_ =	shalt  }
0x55: {  	_ =	shalt  }
0x56: {  	_ =	shalt  }
0x57: {  	_ =	shalt  }
0x58: {  	_ =	shalt  }
0x59: {  	_ =	shalt  }
0x5a: {  	_ =	shalt  }
0x5b: {  	_ =	shalt  }
0x5c: {  	_ =	shalt  }
0x5d: {  	_ =	shalt  }
0x5e: {  	_ =	shalt  }
0x5f: {  	_ =	shalt  }
0x60: {  	_ =	shalt  }
0x61: {  	_ =	shalt  }
0x62: {  	_ =	shalt  }
0x63: {  	_ =	shalt  }
0x64: {  	_ =	shalt  }
0x65: {  	_ =	shalt  }
0x66: {  	_ =	shalt  }
0x67: {  	_ =	shalt  }
0x68: {  	_ =	shalt  }
0x69: {  	_ =	shalt  }
0x6a: {  	_ =	shalt  }
0x6b: {  	_ =	shalt  }
0x6c: {  	_ =	shalt  }
0x6d: {  	_ =	shalt  }
0x6e: {  	_ =	shalt  }
0x6f: {  	_ =	shalt  }
0x70: {  	_ =	shalt  }
0x71: {  	_ =	shalt  }
0x72: {  	_ =	shalt  }
0x73: {  	_ =	shalt  }
0x74: {  	_ =	shalt  }
0x75: {  	_ =	shalt  }
0x76: {  	_ =	shalt  }
0x77: {  	_ =	shalt  }
0x78: {  	_ =	shalt  }
0x79: {  	_ =	shalt  }
0x7a: {  	_ =	shalt  }
0x7b: {  	_ =	shalt  }
0x7c: {  	_ =	shalt  }
0x7d: {  	_ =	shalt  }
0x7e: {  	_ =	shalt  }
0x7f: {  	_ =	shalt  }
0x80: {  	_ =	shalt  }
0x81: {  	_ =	shalt  }
0x82: {  	_ =	shalt  }
0x83: {  	_ =	shalt  }
0x84: {  	_ =	shalt  }
0x85: {  	_ =	shalt  }
0x86: {  	_ =	shalt  }
0x87: {  	_ =	shalt  }
.Lfunc_end0:
.L_simem_size_0:
called_computation_lowered:
.L_overlay_start_0:
0x88: {  	s2 =	sld [smem:$0x3FD9]  }
0x89: {  	s3 =	sld [smem:$0x3FFE];
	_ =	sdelay $0x1  }
0x8a: {  	s1 =	srdreg.scid  }
0x8b: {  	s0 =	sand.u32 $0x1, s1  }
0x8c: {  	s17 =	sshll.u32 s0, $0xA;
	s2 =	sadd.s32 s3, s2  }
0x8d: {  	s2 =	sadd.s32 s2, s17  }
0x8e: {  	[smem:$0x3FC3] =	sst s2  }
0x8f: {  	_ = 	snop  }
0x90: {  	s2 =	sld [smem:$0x3FD0];
	(tm) =	ssettm $0x1  }
0x91: {  	s18 =	sld [smem:$0x3FFB];
	_ =	sdelay $0x3  }
0x92: {  	_ =	strace s18  }
0x93: {  	s3 =	sld [smem:$0x3FFC];
	_ =	sdelay $0x3  }
0x94: {  	_ =	strace s3  }
0x95: {  	s3 =	sld [smem:$0x3FFD];
	_ =	sdelay $0x3  }
0x96: {  	_ =	strace s3  }
0x97: {  	_ =	strace $0x8FFFFFFF  }
0x98: {  	s19 =	sld [smem:$0x3FDB];
	_ =	sdelay $0x1  }
0x99: {  	s4 =	simm.s32 $_scs_section_size  }
0x9a: {  	s5 =	simm.s32 $_size__tile_overlayer_lowered;
	s6 =	simm.s32 $_tile_overlayer_lowered  }
0x9b: {  	s22 =	simm.s32 $0x1BFF;
	s21 =	sshll.u32 s6, $0x1;
	s3 =	sadd.s32 s4, s19  }
0x9c: {  	s7 =	simm.s32 $0x0;
	s20 =	sshll.u32 s5, $0x1;
	s5 =	sadd.s32 s21, s3  }
0x9d: {  	[timem:s7], [sflag:s22] =	dma.local [hbm:s5], s20  }
0x9e: {  	_ =	swait.ge [sflag:s22], s20  }
0x9f: {  	s4 =	ssub.s32 $0x0, s20;
	[sflag:s22] =	ssyncset.done $0x0  }
0xa0: {  	[sflag:s22] =	ssyncadd.s32 s4;
	_ =	sdelay $0x1  }
0xa1: {  	s23 =	simm.s32 $0x1B8B  }
0xa2: {  	_ =	swait.ge [sflag:s23], $0x1  }
0xa3: {  	[sflag:s23] =	ssyncset.done $0x0  }
0xa4: {  	s25 =	simm.s32 $0x1B8E;
	s24 =	sld [smem:$0x3FFE];
	[sflag:s23] =	ssyncadd.s32 $0xFFFFFFFF  }
0xa5: {  	s26 =	simm.s32 $execute0_lowered;
	[smem:$0x3FD2] =	sst s25  }
0xa6: {  	s5 =	sshll.u32 s26, $0x1;
	_ =	strace $0x80000046;
	[dreg:$0x1] =	wrdreg $0xFFFFFFFF  }
0xa7: {  	s28 =	simm.s32 $_size_execute0_lowered;
	s3 =	sadd.s32 s3, s5;
	[dreg:$0x0] =	wrdreg $0x0  }
0xa8: {  	s5 =	sshll.u32 s28, $0x1;
	[dreg:$0x2] =	wrdreg s3  }
0xa9: {  	[dreg:$0x3] =	wrdreg s5  }
0xaa: {  	[dreg:$0x4] =	wrdreg $0xC0  }
0xab: {  	_ =	task [dreg:s7], $0x5FFFF  }
0xac: {  	[dreg:$0x1] =	wrdreg $0xFFFFFFFF  }
0xad: {  	[dreg:$0x0] =	wrdreg $0x60  }
0xae: {  	[dreg:$0x2] =	wrdreg s24  }
0xaf: {  	[dreg:$0x3] =	wrdreg s2  }
0xb0: {  	[dreg:$0x4] =	wrdreg $0x80000  }
0xb1: {  	[dreg:$0x5] =	wrdreg $0xA7180  }
0xb2: {  	[dreg:$0x6] =	wrdreg $0xCE300  }
0xb3: {  	[dreg:$0x7] =	wrdreg $0x9  }
0xb4: {  	_ =	task.clear_ibuf [dreg:s7], $0x8FFFF;
	_ =	strace $0x90000046  }
0xb5: {  	s29 =	simm.s32 $0x9;
	_ =	strace $0x80000048  }
0xb6: {  	_ =	swait.ge [sflag:s29], $0x1  }
0xb7: {  	[sflag:s29] =	ssyncadd.s32 $0xFFFFFFFF  }
0xb8: {  	_ =	strace $0x90000048  }
0xb9: {  	_ =	sfence  }
0xba: {  	s30 =	sld [smem:$0x0];
	_ =	sdelay $0x2  }
0xbb: {  	s31 =	sshll.u32 s1, $0xD;
	s1 =	sshrl.u32 s1, $0x2  }
0xbc: {  	s3 =	sand.u32 $0x4000, s31;
	s1 =	sadd.s32 s1, s30  }
0xbd: {  	s0 =	sor.u32 s3, s0;
	s1 =	sshll.u32 s1, $0x11  }
0xbe: {  	s0 =	sor.u32 s1, s0  }
0xbf: {  	s0 =	sadd.s32 $0x8F2B, s0  }
0xc0: {  	[sflag:s0] =	ssyncadd.remote.s32 $0x1  }
0xc1: {  	_ =	sfence.sel $0xFFFF  }
0xc2: {  	[dreg:$0x0] =	wrdreg $0xFFFFFFFF;
	(pc) =	sbr.abs _section_cstart, $3  }
0xc3: {  	[dreg:$0x1] =	wrdreg $0xFFFFFFFF  }
0xc4: {  	_ =	task.clear_ibuf [dreg:s7], $0x2FFFF;
	_ =	strace $0x9FFFFFFF  }
0xc5: {  	(tm) =	ssettm $0x7FFFFFFF  }
tec
execute0_lowered:
.L_overlay_start_1:
0x0: {  	(tag) =	ssettag $0x1  }
0x1: {  	s0 =	rddreg [dreg:$0x0]  }
0x2: {  	s2 =	rddreg [dreg:$0x1]  }
0x3: {  	s3 =	rddreg [dreg:$0x2]  }
0x4: {  	s4 =	rddreg [dreg:$0x3]  }
0x5: {  	s5 =	rddreg [dreg:$0x4];
	s6 =	srdreg.scid  }
0x6: {  	s1 =	rddreg [dreg:$0x5];
	s13 =	stileid.u32  }
0x7: {  	s15 =	simm.s32 $0x6000;
	s19 =	simm.s32 $0x80;
	s20 =	simm.s32 $0x1  }
0x8: {  	s21 =	simm.s32 $0x2;
	s22 =	simm.s32 $0x0;
	s8 =	sand.u32 $0x1, s6  }
0x9: {  	s6 =	simm.s32 $0x0;
	s7 =	sshll.u32 s13, $0xB;
	p0 =	sne.s32 s13, $0x0  }
0xa: {  	s13 =	simm.s32 $0x3;
	s9 =	sshll.u32 s8, $0xA;
	[smem:$0x7FF] =	sst s6  }
0xb: {  	s10 =	ssub.s32 $0x2, s8;
	s8 =	sshll.u32 s8, $0x4;
	s16 =	sshrl.u32 @!p0 s3, $0x3  }
0xc: {  	s17 =	sshrl.u32 @!p0 s4, $0x3;
	s18 =	sshrl.u32 @!p0 s5, $0x3;
	s7 =	sor.u32 s9, s7  }
0xd: {  	_ =	strace $0x80000047;
	s11 =	sshrl.u32 s10, $0x1;
	s12 =	sadd.s32 s8, s0  }
0xe: {  	s9 =	sadd.s32 s7, s0;
	s7 =	sadd.s32 $0x17400, s0;
	s14 =	ssub.s32 s10, s11  }
0xf: {  	s10 =	sadd.s32 $0x17800, s12;
	s11 =	sadd.s32 $0x21600, s12;
	s8 =	sadd.s32 $0x7400, s9  }
0x10: {  	s9 =	sadd.s32 $0xF400, s9;
	s12 =	smax.u32 s14, $0x1;
	s14 =	simm.s32 $0x2000  }
.LBB2_1:
0x11: {  	[tilespmem:s6], [sflag:$0x3] =	stream.linear.gather [hbm4b:s8+s6], $0x1D00, $0x38;
	[tilespmem:$0x107A0] =	vst v63  }
0x12: {  	_ =	swait.ge [sflag:s13], $0x1D00  }
0x13: {  	[sflag:s13] =	ssyncset.done $0x0  }
0x14: {  	[sflag:s13] =	ssyncadd.s32 $0xFFFFE300  }
0x15: {  	[tilespmem:s14], [sflag:$0x3] =	stream.linear.gather [hbm4b:s9+s6], $0x1D00, $0x38;
	[tilespmem:$0x107A0] =	vst v63  }
0x16: {  	_ =	swait.ge [sflag:s13], $0x1D00  }
0x17: {  	[sflag:s13] =	ssyncset.done $0x0  }
0x18: {  	[sflag:s13] =	ssyncadd.s32 $0xFFFFE300  }
0x19: {  	[tilespmem:s15], [sflag:$0x3] =	stream.linear.gather [hbm4b:s7+s6], $0x1D00, $0x38;
	[tilespmem:$0x107A0] =	vst v63  }
0x1a: {  	_ =	swait.ge [sflag:s13], $0x1D00  }
0x1b: {  	[sflag:s13] =	ssyncset.done $0x0  }
0x1c: {  	s23 =	simm.s32 @!p0 $0x1C03;
	s24 =	simm.s32 @!p0 $0x3;
	[sflag:s13] =	ssyncadd.s32 $0xFFFFE300  }
0x1d: {  	[spmem:s16], [sflag:s23] =	dma.local @!p0 [hbm:s2], $0x4E30  }
0x1e: {  	_ =	swait.ge @!p0 [sflag:s24], $0x4E30  }
0x1f: {  	[sflag:s24] =	ssyncset.done @!p0 $0x0  }
0x20: {  	[sflag:s24] =	ssyncadd.s32 @!p0 $0xFFFFB1D0  }
0x21: {  	[spmem:s17], [sflag:s23] =	dma.local @!p0 [hbm:s2], $0x4E30  }
0x22: {  	_ =	swait.ge @!p0 [sflag:s24], $0x4E30  }
0x23: {  	[sflag:s24] =	ssyncset.done @!p0 $0x0  }
0x24: {  	[sflag:s24] =	ssyncadd.s32 @!p0 $0xFFFFB1D0  }
0x25: {  	[spmem:s18], [sflag:s23] =	dma.local @!p0 [hbm:s0], $0x72E0  }
0x26: {  	_ =	swait.ge @!p0 [sflag:s24], $0x72E0  }
0x27: {  	[sflag:s24] =	ssyncset.done @!p0 $0x0  }
0x28: {  	s25 =	simm.s32 $0x4000;
	[sflag:s24] =	ssyncadd.s32 @!p0 $0xFFFF8D20  }
0x29: {  	s23 =	simm.s32 $0x200;
	s24 =	simm.s32 $0x0;
	[bflag:$0x0] =	sbarrier.arrive $0xFFFF  }
.LBB2_2:
0x2a: {  	[tilespmem:s25], [sflag:$0x1] =	stream.indirect.gather [spmem:s5], $0x1, s24, s19, $0xb8;
	[tilespmem:$0x107A0] =	vst v63  }
0x2b: {  	s24 =	smov.u32 s23;
	p1 =	sne.s32 s23, $0x7200  }
.Ltmp0:
0x2c: {  	s23 =	sadd.s32 $0x200, s23;
	(pc) =	sbr.rel @p1 .LBB2_2-.Ltmp0, $3  }
0x2d: {  	_ =	sdelay $0x1  }
0x2e: {  	s24 =	sshra.s32 s24, $0x2  }
0x2f: {  	s25 =	sadd.s32 $0x4000, s24  }
0x30: {  	[tilespmem:s25], [sflag:$0x1] =	stream.indirect.gather [spmem:s5], $0x1, s24, s19, $0xb8;
	[tilespmem:$0x107A0] =	vst v63  }
0x31: {  	_ =	swait.ge [sflag:s20], $0x1D00  }
0x32: {  	[sflag:s20] =	ssyncset.done $0x0  }
0x33: {  	s23 =	simm.s32 $0x4000;
	s24 =	simm.s32 $0x2000;
	[sflag:s20] =	ssyncadd.s32 $0xFFFFE300  }
0x34: {  	[spmem:s3] =	stream.indirect.scatter.add.f32 [tilespmem:s23], [sflag:$0x2], $0x1, s24, s19, $0xb8;
	[tilespmem:$0x107A0] =	vst v63  }
0x35: {  	s25 =	simm.s32 $0x6000;
	s23 =	simm.s32 $0x200  }
.LBB2_4:
0x36: {  	[spmem:s4] =	stream.indirect.scatter.add.f32 [tilespmem:s25], [sflag:$0x2], $0x1, s24, s19, $0xb8;
	[tilespmem:$0x107A0] =	vst v63  }
0x37: {  	s24 =	smov.u32 s23;
	p1 =	sne.s32 s23, $0x7200  }
.Ltmp1:
0x38: {  	s23 =	sadd.s32 $0x200, s23;
	(pc) =	sbr.rel @p1 .LBB2_4-.Ltmp1, $4  }
0x39: {  	s25 =	sshra.s32 s24, $0x2  }
0x3a: {  	s26 =	sadd.s32 $0x4000, s25;
	s24 =	sadd.s32 $0x2000, s25  }
0x3b: {  	[spmem:s3] =	stream.indirect.scatter.add.f32 [tilespmem:s26], [sflag:$0x2], $0x1, s24, s19, $0xb8;
	[tilespmem:$0x107A0] =	vst v63  }
0x3c: {  	s25 =	sadd.s32 $0x6000, s25  }
0x3d: {  	[spmem:s4] =	stream.indirect.scatter.add.f32 [tilespmem:s25], [sflag:$0x2], $0x1, s24, s19, $0xb8;
	[tilespmem:$0x107A0] =	vst v63  }
0x3e: {  	_ =	swait.ge [sflag:s21], $0x1D00  }
0x3f: {  	[sflag:s21] =	ssyncset.done $0x0  }
0x40: {  	[sflag:s21] =	ssyncadd.s32 $0xFFFFE300  }
0x41: {  	_ =	swait.ge [sflag:s21], $0x1D00  }
0x42: {  	s23 =	simm.s32 @!p0 $0x1;
	[sflag:s21] =	ssyncset.done $0x0  }
0x43: {  	s24 =	simm.s32 @!p0 $0x20;
	s25 =	simm.s32 @!p0 $0x10;
	[sflag:s21] =	ssyncadd.s32 $0xFFFFE300  }
0x44: {  	s26 =	simm.s32 @!p0 $0x1C03;
	s28 =	simm.s32 @!p0 $0x3;
	[bflag:$0x0] =	sbarrier.arrive $0xFFFF  }
0x45: {  	[hbm:s10@s24], [sflag:s26] =	dma.strided @!p0 [spmem:s16@s25], $0x4E20, s23, $0x10   }
0x46: {  	s22 =	sadd.s32 $0x1, s22;
	_ =	swait.ge @!p0 [sflag:s28], $0x4E20  }
0x47: {  	p1 =	sne.s32 s22, s12;
	[sflag:s28] =	ssyncset.done @!p0 $0x0  }
.Ltmp2:
0x48: {  	[sflag:s28] =	ssyncadd.s32 @!p0 $0xFFFFB1E0;
	(pc) =	sbr.rel @p1 .LBB2_1-.Ltmp2, $4  }
0x49: {  	[hbm:s11@s24], [sflag:s26] =	dma.strided @!p0 [spmem:s17@s25], $0x4E20, s23, $0x10   }
0x4a: {  	_ =	swait.ge @!p0 [sflag:s28], $0x4E20  }
0x4b: {  	[sflag:s28] =	ssyncset.done @!p0 $0x0  }
0x4c: {  	[sflag:s28] =	ssyncadd.s32 @!p0 $0xFFFFB1E0  }
0x4d: {  	_ =	sfence.sel $0x180000  }
0x4e: {  	[bflag:$0x0] =	sbarrier.arrive $0xFFFF  }
0x4f: {  	_ =	strace $0x90000047  }
0x50: {  	s0 =	sadd.s32 @!p0 $0x100000, s1;
	[bflag:$0x2] =	sbarrier.arrive $0xFFFF  }
0x51: {  	[sflag:s0] =	ssyncadd.tile.s32 @!p0 $0x1;
	_ =	shalt  }
.Lfunc_end2:
_tile_overlayer_lowered:
.L_overlay_start_2:
0x52: {  	(tag) =	ssettag $0x2  }
0x53: {  	s0 =	rddreg [dreg:$0x0];
	s2 =	stileid.u32  }
0x54: {  	s1 =	rddreg [dreg:$0x1];
	p0 =	sne.s32 s2, $0x0  }
0x55: {  	s3 =	rddreg [dreg:$0x2];
	[bflag:$0x3] =	sbarrier.arrive $0xFFFF;
	s2 =	simm.s32 @!p0 $0x1C03  }
0x56: {  	[timem:s3], [sflag:s2] =	dma.local @!p0 [hbm:s0], s1  }
0x57: {  	s0 =	simm.s32 @!p0 $0x3  }
0x58: {  	_ =	swait.ge @!p0 [sflag:s0], s1  }
0x59: {  	s1 =	ssub.s32 @!p0 $0x0, s1;
	[sflag:s0] =	ssyncset.done @!p0 $0x0  }
0x5a: {  	[sflag:s0] =	ssyncadd.s32 @!p0 s1  }
0x5b: {  	[bflag:$0x3] =	sbarrier.arrive $0xFFFF  }
0x5c: {  	_ =	shalt  }

</sc_bundles>
